<compile_context>
chip_gen: v7x
topology: tpu7x:2x2x1
jax: 0.10.2.dev20260603
libtpu: 0.0.44.dev20260713+nightly
codegen_flags: <defaults>
</compile_context>

<pallas_src>
import functools

import jax
import jax.numpy as jnp
from jax import lax
from jax.experimental import pallas as pl
from jax.experimental.pallas import tpu as pltpu
from jax.experimental.pallas import tpu_sc as plsc

N_NODES = 10000
N_EDGES = 320000

NC = 2
NS = 16
NW = NC * NS
LANES = 16
WIN = 128
EDGES_PER_TILE = N_EDGES // NW
CHUNKS = EDGES_PER_TILE // LANES
UNROLL = 16
SUP = 10112
N_PAD = 10240
EB = 163840

R_MIN = 0.2
R12_CUTOFF = 0.8
INV_WIDTH = 10.0


def _tc_energy(lengths, rmax_11):
    def body(rm_ref, x_ref, o_ref):
        r = jnp.maximum(x_ref[...], R_MIN)
        x = jnp.clip(r * (1.0 / rm_ref[0, 0]), 0.0, 1.0)
        y = 1.0 - x
        y2 = y * y
        y3 = y2 * y
        cut = y3 * y3
        r2 = r * r
        r4 = r2 * r2
        r8 = r4 * r4
        r12 = r8 * r4
        t = jnp.clip((R12_CUTOFF - r) * INV_WIDTH, 0.0, 1.0)
        sm = t * t * (3.0 - 2.0 * t)
        o_ref[...] = cut / r12 * sm * 0.25

    return pl.pallas_call(
        body,
        grid=(pl.cdiv(N_EDGES, EB),),
        in_specs=[
            pl.BlockSpec(memory_space=pltpu.SMEM),
            pl.BlockSpec((EB,), lambda i: (i,)),
        ],
        out_specs=pl.BlockSpec((EB,), lambda i: (i,)),
        out_shape=jax.ShapeDtypeStruct((N_EDGES,), jnp.float32),
    )(rmax_11, lengths)


def _sc_partials(qv_all, edge_index):
    mesh = plsc.VectorSubcoreMesh(core_axis_name="c", subcore_axis_name="s")

    @functools.partial(
        pl.kernel,
        out_type=jax.ShapeDtypeStruct((NW * N_PAD,), jnp.float32),
        mesh=mesh,
        scratch_types=[
            pltpu.VMEM((EDGES_PER_TILE,), jnp.float32),
            pltpu.VMEM((2, SUP), jnp.int32),
            pltpu.VMEM((N_PAD,), jnp.float32),
            pltpu.SemaphoreType.DMA,
        ],
        compiler_params=pltpu.CompilerParams(needs_layout_passes=False),
    )
    def k(qv_hbm, ei_hbm, out_hbm, qv_v, sidi_v, acc_v, sem):
        c = lax.axis_index("c")
        s = lax.axis_index("s")
        wid = c * NS + s
        base = wid * EDGES_PER_TILE
        off = base % WIN
        start = pl.multiple_of(base - off, WIN)

        dqv = pltpu.async_copy(qv_hbm.at[pl.ds(base, EDGES_PER_TILE)],
                               qv_v, sem)
        dei = pltpu.async_copy(ei_hbm.at[:, pl.ds(start, SUP)], sidi_v, sem)

        @pl.loop(0, N_PAD // LANES)
        def _(i):
            acc_v[pl.ds(i * LANES, LANES)] = jnp.zeros((LANES,), jnp.float32)

        dqv.wait()
        dei.wait()

        def do_chunk(i):
            o = i * LANES
            v = qv_v[pl.ds(o, LANES)]
            si = sidi_v[0, pl.ds(off + o, LANES)]
            di = sidi_v[1, pl.ds(off + o, LANES)]
            plsc.addupdate_scatter(acc_v, [si], v)
            plsc.addupdate_scatter(acc_v, [di], v)

        @pl.loop(0, CHUNKS // UNROLL)
        def _(g):
            vs, sis, dis = [], [], []
            for u in range(UNROLL):
                o = (g * UNROLL + u) * LANES
                vs.append(qv_v[pl.ds(o, LANES)])
                sis.append(sidi_v[0, pl.ds(off + o, LANES)])
                dis.append(sidi_v[1, pl.ds(off + o, LANES)])
            for u in range(UNROLL):
                plsc.addupdate_scatter(acc_v, [sis[u]], vs[u])
                plsc.addupdate_scatter(acc_v, [dis[u]], vs[u])

        @pl.loop(CHUNKS - CHUNKS % UNROLL, CHUNKS)
        def _(i):
            do_chunk(i)

        pltpu.sync_copy(acc_v, out_hbm.at[pl.ds(wid * N_PAD, N_PAD)])

    return k(qv_all, edge_index)


def _tc_combine(partials_2d):
    def body(p_ref, o_ref):
        o_ref[...] = jnp.sum(p_ref[...].reshape(NW, N_PAD // 128, 128), axis=0)

    return pl.pallas_call(
        body,
        out_shape=jax.ShapeDtypeStruct((N_PAD // 128, 128), jnp.float32),
    )(partials_2d)


def kernel(lengths, node_attrs, edge_index, atomic_numbers, r_max):
    del node_attrs, atomic_numbers
    qv_all = _tc_energy(lengths.astype(jnp.float32),
                        r_max.astype(jnp.float32).reshape(1, 1))
    partials = _sc_partials(qv_all, edge_index.astype(jnp.int32))
    return _tc_combine(partials.reshape(-1, 128)).reshape(-1)[:N_NODES]

# --- scband reference (transcript-rebuilt; emitter-appended) ---
"""Pipeline reference for scband-r12-repulsion-15968688406956 (READ-ONLY COPY).

The authoritative reference and input builder live on the scoring server;
editing this copy changes nothing except your own understanding.
"""

import jax, jax.numpy as jnp
import numpy as np

P = 6
C12 = 1.0
R_MIN = 0.2
APPLY_CUTOFF = True
ASSUME_DIRECTED_DOUBLE = True
R12_CUTOFF = 0.8
R12_SWITCH_WIDTH = 0.1

N_NODES = 10000
N_EDGES = 320000
D_FEAT = 128


def setup_inputs(seed: int = 0) -> dict:
    key = jax.random.key(seed)
    k1, k2, k3, k4 = jax.random.split(key, 4)
    lengths = jax.random.uniform(k1, (N_EDGES,), dtype=jnp.float32)
    node_attrs = jax.random.normal(k2, (N_NODES, D_FEAT), dtype=jnp.float32)
    edge_index = jax.random.randint(k3, (2, N_EDGES), 0, N_NODES)
    atomic_numbers = jax.random.randint(k4, (N_NODES,), 0, 100)
    r_max = jnp.asarray(1.0, dtype=jnp.float32)
    return {"lengths": lengths, "node_attrs": node_attrs, "edge_index": edge_index,
            "atomic_numbers": atomic_numbers, "r_max": r_max}


def _poly_cutoff(r, r_max, p, apply_cutoff):
    if not apply_cutoff:
        return jnp.ones_like(r)
    x = jnp.clip(r / r_max, 0.0, 1.0)
    return (1.0 - x) ** int(p)


def _edge_energy(lengths, r_max):
    r = jnp.maximum(lengths, jnp.asarray(R_MIN, dtype=lengths.dtype))
    c12 = jnp.asarray(C12, dtype=lengths.dtype)
    V = c12 / r ** 12
    cutoff = _poly_cutoff(r, r_max.astype(lengths.dtype), P, APPLY_CUTOFF)
    V = V * cutoff
    r12_cutoff = jnp.asarray(R12_CUTOFF, dtype=lengths.dtype)
    width = jnp.asarray(R12_SWITCH_WIDTH, dtype=lengths.dtype)
    hard = (r <= r12_cutoff).astype(lengths.dtype)
    t = jnp.clip((r12_cutoff - r) / jnp.maximum(width, 1e-12), 0.0, 1.0)
    smooth = t * t * (3.0 - 2.0 * t)
    cutoff_extra = jnp.where(width > 0, smooth, hard)
    V = V * jnp.where(r12_cutoff > 0, cutoff_extra, jnp.ones_like(r))
    return V


def _split_edge_energy_to_nodes(V_edge, edge_index, n_nodes, assume_directed_double=True):
    src = edge_index[0]
    dst = edge_index[1]
    if assume_directed_double:
        V_edge = 0.5 * V_edge
    half = 0.5 * V_edge
    node_E = jax.ops.segment_sum(half, src, num_segments=n_nodes) + \
             jax.ops.segment_sum(half, dst, num_segments=n_nodes)
    return node_E


def reference(lengths, node_attrs, edge_index, atomic_numbers, r_max):
    V = _edge_energy(lengths, r_max)
    n_nodes = node_attrs.shape[0]
    return _split_edge_energy_to_nodes(V, edge_index, n_nodes, ASSUME_DIRECTED_DOUBLE)


if False:  # reference __main__ guard neutralized (emitter)
    out = reference(**setup_inputs())
    print(out.shape, out.dtype)

if __name__ == "__main__":
    import jax
    _d = setup_inputs()
    print(jax.jit(kernel)(*tuple(_d.values())))

</pallas_src>

<mosaic_0001>
#map = affine_map<(d0, d1) -> (0)>
#map1 = affine_map<(d0, d1) -> (0, 0)>
module attributes {stable_mosaic.version = 14 : i64} {
  func.func @k(%arg0: i32, %arg1: i32, %arg2: memref<320000xf32, #tpu.memory_space<hbm>>, %arg3: memref<2x320000xi32, #tpu.memory_space<hbm>>, %arg4: memref<327680xf32, #tpu.memory_space<hbm>>, %arg5: memref<10000xf32, #tpu.memory_space<vmem>>, %arg6: memref<2x10112xi32, #tpu.memory_space<vmem>>, %arg7: memref<10240xf32, #tpu.memory_space<vmem>>, %arg8: memref<!tpu.dma_semaphore, #tpu.memory_space<semaphore_mem>>) attributes {dimension_semantics = [#tpu.dimension_semantics<core_parallel>, #tpu.dimension_semantics<subcore_parallel>], iteration_bounds = array<i64: 2, 16>, scalar_prefetch = 0 : i64, scratch_operands = 4 : i64, tpu.core_type = #tpu.core_type<sc_vector_subcore>, window_params = [{transform_indices = #map}, {transform_indices = #map1}, {transform_indices = #map}]} {
    %mul3A = arith.constant 16 : i32
    %mul3A_0 = arith.muli %arg0, %mul3A : i32
    %add3A = arith.addi %mul3A_0, %arg1 : i32
    %mul3A_1 = arith.constant 10000 : i32
    %mul3A_2 = arith.muli %add3A, %mul3A_1 : i32
    %jit3A = arith.constant 128 : i32
    %eq3A = arith.constant 0 : i32
    %eq3A_3 = arith.cmpi eq, %jit3A, %eq3A : i32
    %jit3A_4 = arith.constant 1 : i32
    %select_n3A = arith.select %eq3A_3, %jit3A_4, %jit3A : i32
    %rem3A = arith.remsi %mul3A_2, %select_n3A : i32
    %ne3A = arith.constant 0 : i32
    %ne3A_5 = arith.cmpi ne, %rem3A, %ne3A : i32
    %lt3A = arith.constant 0 : i32
    %lt3A_6 = arith.cmpi slt, %rem3A, %lt3A : i32
    %lt3A_7 = arith.constant 0 : i32
    %lt3A_8 = arith.cmpi slt, %select_n3A, %lt3A_7 : i32
    %ne3A_9 = arith.xori %lt3A_6, %lt3A_8 : i1
    %and3A = arith.andi %ne3A_9, %ne3A_5 : i1
    %add3A_10 = arith.addi %rem3A, %select_n3A : i32
    %select_n3A_11 = arith.select %and3A, %add3A_10, %rem3A : i32
    %sub3A = arith.subi %mul3A_2, %select_n3A_11 : i32
    %multiple_of3A = tpu.assume_multiple %sub3A, 128 : i32
    %dma_start3A = tpu.memref_slice %arg2[%mul3A_2] : memref<320000xf32, #tpu.memory_space<hbm>> -> memref<10000xf32, #tpu.memory_space<hbm>>
    %dma_start3A_12 = tpu.memref_slice %arg2[%mul3A_2] : memref<320000xf32, #tpu.memory_space<hbm>> -> memref<10000xf32, #tpu.memory_space<hbm>>
    tpu.enqueue_dma source(%dma_start3A_12 : memref<10000xf32, #tpu.memory_space<hbm>>) target(%arg5 : memref<10000xf32, #tpu.memory_space<vmem>>) target_semaphore(%arg8 : memref<!tpu.dma_semaphore, #tpu.memory_space<semaphore_mem>>)
    %dma_start3A_13 = arith.constant 0 : i32
    %dma_start3A_14 = tpu.memref_slice %arg3[%dma_start3A_13, %multiple_of3A] : memref<2x320000xi32, #tpu.memory_space<hbm>> -> memref<2x10112xi32, #tpu.memory_space<hbm>>
    %dma_start3A_15 = arith.constant 0 : i32
    %dma_start3A_16 = tpu.memref_slice %arg3[%dma_start3A_15, %multiple_of3A] : memref<2x320000xi32, #tpu.memory_space<hbm>> -> memref<2x10112xi32, #tpu.memory_space<hbm>>
    tpu.enqueue_dma source(%dma_start3A_16 : memref<2x10112xi32, #tpu.memory_space<hbm>>) target(%arg6 : memref<2x10112xi32, #tpu.memory_space<vmem>>) target_semaphore(%arg8 : memref<!tpu.dma_semaphore, #tpu.memory_space<semaphore_mem>>)
    %scan3A = arith.constant 0 : i32
    %scan3A_17 = arith.constant 640 : i32
    %scan3A_18 = arith.addi %scan3A, %scan3A_17 : i32
    %scan3A_19 = arith.constant 1 : i32
    scf.for %scan3A_52 = %scan3A to %scan3A_18 step %scan3A_19  : i32 {
      %mul3A_53 = arith.constant 1 : i32
      %mul3A_54 = arith.muli %scan3A_52, %mul3A_53 : i32
      %add3A_55 = arith.constant 0 : i32
      %add3A_56 = arith.addi %add3A_55, %mul3A_54 : i32
      %broadcast_in_dim3A = arith.constant 0.000000e+00 : f32
      %broadcast_in_dim3A_57 = vector.broadcast %broadcast_in_dim3A : f32 to vector<16xf32>
      %mul3A_58 = arith.constant 16 : i32
      %mul3A_59 = arith.muli %add3A_56, %mul3A_58 : i32
      %swap3A = arith.index_cast %mul3A_59 : i32 to index
      %swap3A_60 = tpu.vector_load %arg7[%swap3A] {strides = array<i32>} : memref<10240xf32, #tpu.memory_space<vmem>>, vector<16xf32>,
      tpu.vector_store %arg7[%swap3A], %broadcast_in_dim3A_57 {strides = array<i32>} : memref<10240xf32, #tpu.memory_space<vmem>>, vector<16xf32>,
    }
    %scan3A_20 = arith.constant 640 : i32
    %dma_wait3A = tpu.memref_slice %arg2[%mul3A_2] : memref<320000xf32, #tpu.memory_space<hbm>> -> memref<10000xf32, #tpu.memory_space<hbm>>
    %dma_wait3A_21 = tpu.memref_slice %arg2[%mul3A_2] : memref<320000xf32, #tpu.memory_space<hbm>> -> memref<10000xf32, #tpu.memory_space<hbm>>
    tpu.wait_dma2 semaphore(%arg8 : memref<!tpu.dma_semaphore, #tpu.memory_space<semaphore_mem>>) src(%dma_wait3A_21 : memref<10000xf32, #tpu.memory_space<hbm>>) dst(%arg5 : memref<10000xf32, #tpu.memory_space<vmem>>)
    %dma_wait3A_22 = arith.constant 0 : i32
    %dma_wait3A_23 = tpu.memref_slice %arg3[%dma_wait3A_22, %multiple_of3A] : memref<2x320000xi32, #tpu.memory_space<hbm>> -> memref<2x10112xi32, #tpu.memory_space<hbm>>
    %dma_wait3A_24 = arith.constant 0 : i32
    %dma_wait3A_25 = tpu.memref_slice %arg3[%dma_wait3A_24, %multiple_of3A] : memref<2x320000xi32, #tpu.memory_space<hbm>> -> memref<2x10112xi32, #tpu.memory_space<hbm>>
    tpu.wait_dma2 semaphore(%arg8 : memref<!tpu.dma_semaphore, #tpu.memory_space<semaphore_mem>>) src(%dma_wait3A_25 : memref<2x10112xi32, #tpu.memory_space<hbm>>) dst(%arg6 : memref<2x10112xi32, #tpu.memory_space<vmem>>)
    %scan3A_26 = arith.constant 0 : i32
    %scan3A_27 = arith.constant 39 : i32
    %scan3A_28 = arith.addi %scan3A_26, %scan3A_27 : i32
    %scan3A_29 = arith.constant 1 : i32
    scf.for %scan3A_52 = %scan3A_26 to %scan3A_28 step %scan3A_29  : i32 {
      %mul3A_53 = arith.constant 1 : i32
      %mul3A_54 = arith.muli %scan3A_52, %mul3A_53 : i32
      %add3A_55 = arith.constant 0 : i32
      %add3A_56 = arith.addi %add3A_55, %mul3A_54 : i32
      %mul3A_57 = arith.constant 16 : i32
      %mul3A_58 = arith.muli %add3A_56, %mul3A_57 : i32
      %add3A_59 = arith.constant 0 : i32
      %add3A_60 = arith.addi %mul3A_58, %add3A_59 : i32
      %mul3A_61 = arith.constant 16 : i32
      %mul3A_62 = arith.muli %add3A_60, %mul3A_61 : i32
      %get3A_63 = arith.index_cast %mul3A_62 : i32 to index
      %get3A_64 = tpu.vector_load %arg5[%get3A_63] {strides = array<i32>} : memref<10000xf32, #tpu.memory_space<vmem>>, vector<16xf32>,
      %add3A_65 = arith.addi %select_n3A_11, %mul3A_62 : i32
      %get3A_66 = arith.constant 0 : i32
      %get3A_67 = arith.index_cast %get3A_66 : i32 to index
      %get3A_68 = arith.index_cast %add3A_65 : i32 to index
      %get3A_69 = tpu.vector_load %arg6[%get3A_67, %get3A_68] {strides = array<i32>} : memref<2x10112xi32, #tpu.memory_space<vmem>>, vector<16xi32>,
      %add3A_70 = arith.addi %select_n3A_11, %mul3A_62 : i32
      %get3A_71 = arith.constant 1 : i32
      %get3A_72 = arith.index_cast %get3A_71 : i32 to index
      %get3A_73 = arith.index_cast %add3A_70 : i32 to index
      %get3A_74 = tpu.vector_load %arg6[%get3A_72, %get3A_73] {strides = array<i32>} : memref<2x10112xi32, #tpu.memory_space<vmem>>, vector<16xi32>,
      %mul3A_75 = arith.constant 16 : i32
      %mul3A_76 = arith.muli %add3A_56, %mul3A_75 : i32
      %add3A_77 = arith.constant 1 : i32
      %add3A_78 = arith.addi %mul3A_76, %add3A_77 : i32
      %mul3A_79 = arith.constant 16 : i32
      %mul3A_80 = arith.muli %add3A_78, %mul3A_79 : i32
      %get3A_81 = arith.index_cast %mul3A_80 : i32 to index
      %get3A_82 = tpu.vector_load %arg5[%get3A_81] {strides = array<i32>} : memref<10000xf32, #tpu.memory_space<vmem>>, vector<16xf32>,
      %add3A_83 = arith.addi %select_n3A_11, %mul3A_80 : i32
      %get3A_84 = arith.constant 0 : i32
      %get3A_85 = arith.index_cast %get3A_84 : i32 to index
      %get3A_86 = arith.index_cast %add3A_83 : i32 to index
      %get3A_87 = tpu.vector_load %arg6[%get3A_85, %get3A_86] {strides = array<i32>} : memref<2x10112xi32, #tpu.memory_space<vmem>>, vector<16xi32>,
      %add3A_88 = arith.addi %select_n3A_11, %mul3A_80 : i32
      %get3A_89 = arith.constant 1 : i32
      %get3A_90 = arith.index_cast %get3A_89 : i32 to index
      %get3A_91 = arith.index_cast %add3A_88 : i32 to index
      %get3A_92 = tpu.vector_load %arg6[%get3A_90, %get3A_91] {strides = array<i32>} : memref<2x10112xi32, #tpu.memory_space<vmem>>, vector<16xi32>,
      %mul3A_93 = arith.constant 16 : i32
      %mul3A_94 = arith.muli %add3A_56, %mul3A_93 : i32
      %add3A_95 = arith.constant 2 : i32
      %add3A_96 = arith.addi %mul3A_94, %add3A_95 : i32
      %mul3A_97 = arith.constant 16 : i32
      %mul3A_98 = arith.muli %add3A_96, %mul3A_97 : i32
      %get3A_99 = arith.index_cast %mul3A_98 : i32 to index
      %get3A_100 = tpu.vector_load %arg5[%get3A_99] {strides = array<i32>} : memref<10000xf32, #tpu.memory_space<vmem>>, vector<16xf32>,
      %add3A_101 = arith.addi %select_n3A_11, %mul3A_98 : i32
      %get3A_102 = arith.constant 0 : i32
      %get3A_103 = arith.index_cast %get3A_102 : i32 to index
      %get3A_104 = arith.index_cast %add3A_101 : i32 to index
      %get3A_105 = tpu.vector_load %arg6[%get3A_103, %get3A_104] {strides = array<i32>} : memref<2x10112xi32, #tpu.memory_space<vmem>>, vector<16xi32>,
      %add3A_106 = arith.addi %select_n3A_11, %mul3A_98 : i32
      %get3A_107 = arith.constant 1 : i32
      %get3A_108 = arith.index_cast %get3A_107 : i32 to index
      %get3A_109 = arith.index_cast %add3A_106 : i32 to index
      %get3A_110 = tpu.vector_load %arg6[%get3A_108, %get3A_109] {strides = array<i32>} : memref<2x10112xi32, #tpu.memory_space<vmem>>, vector<16xi32>,
      %mul3A_111 = arith.constant 16 : i32
      %mul3A_112 = arith.muli %add3A_56, %mul3A_111 : i32
      %add3A_113 = arith.constant 3 : i32
      %add3A_114 = arith.addi %mul3A_112, %add3A_113 : i32
      %mul3A_115 = arith.constant 16 : i32
      %mul3A_116 = arith.muli %add3A_114, %mul3A_115 : i32
      %get3A_117 = arith.index_cast %mul3A_116 : i32 to index
      %get3A_118 = tpu.vector_load %arg5[%get3A_117] {strides = array<i32>} : memref<10000xf32, #tpu.memory_space<vmem>>, vector<16xf32>,
      %add3A_119 = arith.addi %select_n3A_11, %mul3A_116 : i32
      %get3A_120 = arith.constant 0 : i32
      %get3A_121 = arith.index_cast %get3A_120 : i32 to index
      %get3A_122 = arith.index_cast %add3A_119 : i32 to index
      %get3A_123 = tpu.vector_load %arg6[%get3A_121, %get3A_122] {strides = array<i32>} : memref<2x10112xi32, #tpu.memory_space<vmem>>, vector<16xi32>,
      %add3A_124 = arith.addi %select_n3A_11, %mul3A_116 : i32
      %get3A_125 = arith.constant 1 : i32
      %get3A_126 = arith.index_cast %get3A_125 : i32 to index
      %get3A_127 = arith.index_cast %add3A_124 : i32 to index
      %get3A_128 = tpu.vector_load %arg6[%get3A_126, %get3A_127] {strides = array<i32>} : memref<2x10112xi32, #tpu.memory_space<vmem>>, vector<16xi32>,
      %mul3A_129 = arith.constant 16 : i32
      %mul3A_130 = arith.muli %add3A_56, %mul3A_129 : i32
      %add3A_131 = arith.constant 4 : i32
      %add3A_132 = arith.addi %mul3A_130, %add3A_131 : i32
      %mul3A_133 = arith.constant 16 : i32
      %mul3A_134 = arith.muli %add3A_132, %mul3A_133 : i32
      %get3A_135 = arith.index_cast %mul3A_134 : i32 to index
      %get3A_136 = tpu.vector_load %arg5[%get3A_135] {strides = array<i32>} : memref<10000xf32, #tpu.memory_space<vmem>>, vector<16xf32>,
      %add3A_137 = arith.addi %select_n3A_11, %mul3A_134 : i32
      %get3A_138 = arith.constant 0 : i32
      %get3A_139 = arith.index_cast %get3A_138 : i32 to index
      %get3A_140 = arith.index_cast %add3A_137 : i32 to index
      %get3A_141 = tpu.vector_load %arg6[%get3A_139, %get3A_140] {strides = array<i32>} : memref<2x10112xi32, #tpu.memory_space<vmem>>, vector<16xi32>,
      %add3A_142 = arith.addi %select_n3A_11, %mul3A_134 : i32
      %get3A_143 = arith.constant 1 : i32
      %get3A_144 = arith.index_cast %get3A_143 : i32 to index
      %get3A_145 = arith.index_cast %add3A_142 : i32 to index
      %get3A_146 = tpu.vector_load %arg6[%get3A_144, %get3A_145] {strides = array<i32>} : memref<2x10112xi32, #tpu.memory_space<vmem>>, vector<16xi32>,
      %mul3A_147 = arith.constant 16 : i32
      %mul3A_148 = arith.muli %add3A_56, %mul3A_147 : i32
      %add3A_149 = arith.constant 5 : i32
      %add3A_150 = arith.addi %mul3A_148, %add3A_149 : i32
      %mul3A_151 = arith.constant 16 : i32
      %mul3A_152 = arith.muli %add3A_150, %mul3A_151 : i32
      %get3A_153 = arith.index_cast %mul3A_152 : i32 to index
      %get3A_154 = tpu.vector_load %arg5[%get3A_153] {strides = array<i32>} : memref<10000xf32, #tpu.memory_space<vmem>>, vector<16xf32>,
      %add3A_155 = arith.addi %select_n3A_11, %mul3A_152 : i32
      %get3A_156 = arith.constant 0 : i32
      %get3A_157 = arith.index_cast %get3A_156 : i32 to index
      %get3A_158 = arith.index_cast %add3A_155 : i32 to index
      %get3A_159 = tpu.vector_load %arg6[%get3A_157, %get3A_158] {strides = array<i32>} : memref<2x10112xi32, #tpu.memory_space<vmem>>, vector<16xi32>,
      %add3A_160 = arith.addi %select_n3A_11, %mul3A_152 : i32
      %get3A_161 = arith.constant 1 : i32
      %get3A_162 = arith.index_cast %get3A_161 : i32 to index
      %get3A_163 = arith.index_cast %add3A_160 : i32 to index
      %get3A_164 = tpu.vector_load %arg6[%get3A_162, %get3A_163] {strides = array<i32>} : memref<2x10112xi32, #tpu.memory_space<vmem>>, vector<16xi32>,
      %mul3A_165 = arith.constant 16 : i32
      %mul3A_166 = arith.muli %add3A_56, %mul3A_165 : i32
      %add3A_167 = arith.constant 6 : i32
      %add3A_168 = arith.addi %mul3A_166, %add3A_167 : i32
      %mul3A_169 = arith.constant 16 : i32
      %mul3A_170 = arith.muli %add3A_168, %mul3A_169 : i32
      %get3A_171 = arith.index_cast %mul3A_170 : i32 to index
      %get3A_172 = tpu.vector_load %arg5[%get3A_171] {strides = array<i32>} : memref<10000xf32, #tpu.memory_space<vmem>>, vector<16xf32>,
      %add3A_173 = arith.addi %select_n3A_11, %mul3A_170 : i32
      %get3A_174 = arith.constant 0 : i32
      %get3A_175 = arith.index_cast %get3A_174 : i32 to index
      %get3A_176 = arith.index_cast %add3A_173 : i32 to index
      %get3A_177 = tpu.vector_load %arg6[%get3A_175, %get3A_176] {strides = array<i32>} : memref<2x10112xi32, #tpu.memory_space<vmem>>, vector<16xi32>,
      %add3A_178 = arith.addi %select_n3A_11, %mul3A_170 : i32
      %get3A_179 = arith.constant 1 : i32
      %get3A_180 = arith.index_cast %get3A_179 : i32 to index
      %get3A_181 = arith.index_cast %add3A_178 : i32 to index
      %get3A_182 = tpu.vector_load %arg6[%get3A_180, %get3A_181] {strides = array<i32>} : memref<2x10112xi32, #tpu.memory_space<vmem>>, vector<16xi32>,
      %mul3A_183 = arith.constant 16 : i32
      %mul3A_184 = arith.muli %add3A_56, %mul3A_183 : i32
      %add3A_185 = arith.constant 7 : i32
      %add3A_186 = arith.addi %mul3A_184, %add3A_185 : i32
      %mul3A_187 = arith.constant 16 : i32
      %mul3A_188 = arith.muli %add3A_186, %mul3A_187 : i32
      %get3A_189 = arith.index_cast %mul3A_188 : i32 to index
      %get3A_190 = tpu.vector_load %arg5[%get3A_189] {strides = array<i32>} : memref<10000xf32, #tpu.memory_space<vmem>>, vector<16xf32>,
      %add3A_191 = arith.addi %select_n3A_11, %mul3A_188 : i32
      %get3A_192 = arith.constant 0 : i32
      %get3A_193 = arith.index_cast %get3A_192 : i32 to index
      %get3A_194 = arith.index_cast %add3A_191 : i32 to index
      %get3A_195 = tpu.vector_load %arg6[%get3A_193, %get3A_194] {strides = array<i32>} : memref<2x10112xi32, #tpu.memory_space<vmem>>, vector<16xi32>,
      %add3A_196 = arith.addi %select_n3A_11, %mul3A_188 : i32
      %get3A_197 = arith.constant 1 : i32
      %get3A_198 = arith.index_cast %get3A_197 : i32 to index
      %get3A_199 = arith.index_cast %add3A_196 : i32 to index
      %get3A_200 = tpu.vector_load %arg6[%get3A_198, %get3A_199] {strides = array<i32>} : memref<2x10112xi32, #tpu.memory_space<vmem>>, vector<16xi32>,
      %mul3A_201 = arith.constant 16 : i32
      %mul3A_202 = arith.muli %add3A_56, %mul3A_201 : i32
      %add3A_203 = arith.constant 8 : i32
      %add3A_204 = arith.addi %mul3A_202, %add3A_203 : i32
      %mul3A_205 = arith.constant 16 : i32
      %mul3A_206 = arith.muli %add3A_204, %mul3A_205 : i32
      %get3A_207 = arith.index_cast %mul3A_206 : i32 to index
      %get3A_208 = tpu.vector_load %arg5[%get3A_207] {strides = array<i32>} : memref<10000xf32, #tpu.memory_space<vmem>>, vector<16xf32>,
      %add3A_209 = arith.addi %select_n3A_11, %mul3A_206 : i32
      %get3A_210 = arith.constant 0 : i32
      %get3A_211 = arith.index_cast %get3A_210 : i32 to index
      %get3A_212 = arith.index_cast %add3A_209 : i32 to index
      %get3A_213 = tpu.vector_load %arg6[%get3A_211, %get3A_212] {strides = array<i32>} : memref<2x10112xi32, #tpu.memory_space<vmem>>, vector<16xi32>,
      %add3A_214 = arith.addi %select_n3A_11, %mul3A_206 : i32
      %get3A_215 = arith.constant 1 : i32
      %get3A_216 = arith.index_cast %get3A_215 : i32 to index
      %get3A_217 = arith.index_cast %add3A_214 : i32 to index
      %get3A_218 = tpu.vector_load %arg6[%get3A_216, %get3A_217] {strides = array<i32>} : memref<2x10112xi32, #tpu.memory_space<vmem>>, vector<16xi32>,
      %mul3A_219 = arith.constant 16 : i32
      %mul3A_220 = arith.muli %add3A_56, %mul3A_219 : i32
      %add3A_221 = arith.constant 9 : i32
      %add3A_222 = arith.addi %mul3A_220, %add3A_221 : i32
      %mul3A_223 = arith.constant 16 : i32
      %mul3A_224 = arith.muli %add3A_222, %mul3A_223 : i32
      %get3A_225 = arith.index_cast %mul3A_224 : i32 to index
      %get3A_226 = tpu.vector_load %arg5[%get3A_225] {strides = array<i32>} : memref<10000xf32, #tpu.memory_space<vmem>>, vector<16xf32>,
      %add3A_227 = arith.addi %select_n3A_11, %mul3A_224 : i32
      %get3A_228 = arith.constant 0 : i32
      %get3A_229 = arith.index_cast %get3A_228 : i32 to index
      %get3A_230 = arith.index_cast %add3A_227 : i32 to index
      %get3A_231 = tpu.vector_load %arg6[%get3A_229, %get3A_230] {strides = array<i32>} : memref<2x10112xi32, #tpu.memory_space<vmem>>, vector<16xi32>,
      %add3A_232 = arith.addi %select_n3A_11, %mul3A_224 : i32
      %get3A_233 = arith.constant 1 : i32
      %get3A_234 = arith.index_cast %get3A_233 : i32 to index
      %get3A_235 = arith.index_cast %add3A_232 : i32 to index
      %get3A_236 = tpu.vector_load %arg6[%get3A_234, %get3A_235] {strides = array<i32>} : memref<2x10112xi32, #tpu.memory_space<vmem>>, vector<16xi32>,
      %mul3A_237 = arith.constant 16 : i32
      %mul3A_238 = arith.muli %add3A_56, %mul3A_237 : i32
      %add3A_239 = arith.constant 10 : i32
      %add3A_240 = arith.addi %mul3A_238, %add3A_239 : i32
      %mul3A_241 = arith.constant 16 : i32
      %mul3A_242 = arith.muli %add3A_240, %mul3A_241 : i32
      %get3A_243 = arith.index_cast %mul3A_242 : i32 to index
      %get3A_244 = tpu.vector_load %arg5[%get3A_243] {strides = array<i32>} : memref<10000xf32, #tpu.memory_space<vmem>>, vector<16xf32>,
      %add3A_245 = arith.addi %select_n3A_11, %mul3A_242 : i32
      %get3A_246 = arith.constant 0 : i32
      %get3A_247 = arith.index_cast %get3A_246 : i32 to index
      %get3A_248 = arith.index_cast %add3A_245 : i32 to index
      %get3A_249 = tpu.vector_load %arg6[%get3A_247, %get3A_248] {strides = array<i32>} : memref<2x10112xi32, #tpu.memory_space<vmem>>, vector<16xi32>,
      %add3A_250 = arith.addi %select_n3A_11, %mul3A_242 : i32
      %get3A_251 = arith.constant 1 : i32
      %get3A_252 = arith.index_cast %get3A_251 : i32 to index
      %get3A_253 = arith.index_cast %add3A_250 : i32 to index
      %get3A_254 = tpu.vector_load %arg6[%get3A_252, %get3A_253] {strides = array<i32>} : memref<2x10112xi32, #tpu.memory_space<vmem>>, vector<16xi32>,
      %mul3A_255 = arith.constant 16 : i32
      %mul3A_256 = arith.muli %add3A_56, %mul3A_255 : i32
      %add3A_257 = arith.constant 11 : i32
      %add3A_258 = arith.addi %mul3A_256, %add3A_257 : i32
      %mul3A_259 = arith.constant 16 : i32
      %mul3A_260 = arith.muli %add3A_258, %mul3A_259 : i32
      %get3A_261 = arith.index_cast %mul3A_260 : i32 to index
      %get3A_262 = tpu.vector_load %arg5[%get3A_261] {strides = array<i32>} : memref<10000xf32, #tpu.memory_space<vmem>>, vector<16xf32>,
      %add3A_263 = arith.addi %select_n3A_11, %mul3A_260 : i32
      %get3A_264 = arith.constant 0 : i32
      %get3A_265 = arith.index_cast %get3A_264 : i32 to index
      %get3A_266 = arith.index_cast %add3A_263 : i32 to index
      %get3A_267 = tpu.vector_load %arg6[%get3A_265, %get3A_266] {strides = array<i32>} : memref<2x10112xi32, #tpu.memory_space<vmem>>, vector<16xi32>,
      %add3A_268 = arith.addi %select_n3A_11, %mul3A_260 : i32
      %get3A_269 = arith.constant 1 : i32
      %get3A_270 = arith.index_cast %get3A_269 : i32 to index
      %get3A_271 = arith.index_cast %add3A_268 : i32 to index
      %get3A_272 = tpu.vector_load %arg6[%get3A_270, %get3A_271] {strides = array<i32>} : memref<2x10112xi32, #tpu.memory_space<vmem>>, vector<16xi32>,
      %mul3A_273 = arith.constant 16 : i32
      %mul3A_274 = arith.muli %add3A_56, %mul3A_273 : i32
      %add3A_275 = arith.constant 12 : i32
      %add3A_276 = arith.addi %mul3A_274, %add3A_275 : i32
      %mul3A_277 = arith.constant 16 : i32
      %mul3A_278 = arith.muli %add3A_276, %mul3A_277 : i32
      %get3A_279 = arith.index_cast %mul3A_278 : i32 to index
      %get3A_280 = tpu.vector_load %arg5[%get3A_279] {strides = array<i32>} : memref<10000xf32, #tpu.memory_space<vmem>>, vector<16xf32>,
      %add3A_281 = arith.addi %select_n3A_11, %mul3A_278 : i32
      %get3A_282 = arith.constant 0 : i32
      %get3A_283 = arith.index_cast %get3A_282 : i32 to index
      %get3A_284 = arith.index_cast %add3A_281 : i32 to index
      %get3A_285 = tpu.vector_load %arg6[%get3A_283, %get3A_284] {strides = array<i32>} : memref<2x10112xi32, #tpu.memory_space<vmem>>, vector<16xi32>,
      %add3A_286 = arith.addi %select_n3A_11, %mul3A_278 : i32
      %get3A_287 = arith.constant 1 : i32
      %get3A_288 = arith.index_cast %get3A_287 : i32 to index
      %get3A_289 = arith.index_cast %add3A_286 : i32 to index
      %get3A_290 = tpu.vector_load %arg6[%get3A_288, %get3A_289] {strides = array<i32>} : memref<2x10112xi32, #tpu.memory_space<vmem>>, vector<16xi32>,
      %mul3A_291 = arith.constant 16 : i32
      %mul3A_292 = arith.muli %add3A_56, %mul3A_291 : i32
      %add3A_293 = arith.constant 13 : i32
      %add3A_294 = arith.addi %mul3A_292, %add3A_293 : i32
      %mul3A_295 = arith.constant 16 : i32
      %mul3A_296 = arith.muli %add3A_294, %mul3A_295 : i32
      %get3A_297 = arith.index_cast %mul3A_296 : i32 to index
      %get3A_298 = tpu.vector_load %arg5[%get3A_297] {strides = array<i32>} : memref<10000xf32, #tpu.memory_space<vmem>>, vector<16xf32>,
      %add3A_299 = arith.addi %select_n3A_11, %mul3A_296 : i32
      %get3A_300 = arith.constant 0 : i32
      %get3A_301 = arith.index_cast %get3A_300 : i32 to index
      %get3A_302 = arith.index_cast %add3A_299 : i32 to index
      %get3A_303 = tpu.vector_load %arg6[%get3A_301, %get3A_302] {strides = array<i32>} : memref<2x10112xi32, #tpu.memory_space<vmem>>, vector<16xi32>,
      %add3A_304 = arith.addi %select_n3A_11, %mul3A_296 : i32
      %get3A_305 = arith.constant 1 : i32
      %get3A_306 = arith.index_cast %get3A_305 : i32 to index
      %get3A_307 = arith.index_cast %add3A_304 : i32 to index
      %get3A_308 = tpu.vector_load %arg6[%get3A_306, %get3A_307] {strides = array<i32>} : memref<2x10112xi32, #tpu.memory_space<vmem>>, vector<16xi32>,
      %mul3A_309 = arith.constant 16 : i32
      %mul3A_310 = arith.muli %add3A_56, %mul3A_309 : i32
      %add3A_311 = arith.constant 14 : i32
      %add3A_312 = arith.addi %mul3A_310, %add3A_311 : i32
      %mul3A_313 = arith.constant 16 : i32
      %mul3A_314 = arith.muli %add3A_312, %mul3A_313 : i32
      %get3A_315 = arith.index_cast %mul3A_314 : i32 to index
      %get3A_316 = tpu.vector_load %arg5[%get3A_315] {strides = array<i32>} : memref<10000xf32, #tpu.memory_space<vmem>>, vector<16xf32>,
      %add3A_317 = arith.addi %select_n3A_11, %mul3A_314 : i32
      %get3A_318 = arith.constant 0 : i32
      %get3A_319 = arith.index_cast %get3A_318 : i32 to index
      %get3A_320 = arith.index_cast %add3A_317 : i32 to index
      %get3A_321 = tpu.vector_load %arg6[%get3A_319, %get3A_320] {strides = array<i32>} : memref<2x10112xi32, #tpu.memory_space<vmem>>, vector<16xi32>,
      %add3A_322 = arith.addi %select_n3A_11, %mul3A_314 : i32
      %get3A_323 = arith.constant 1 : i32
      %get3A_324 = arith.index_cast %get3A_323 : i32 to index
      %get3A_325 = arith.index_cast %add3A_322 : i32 to index
      %get3A_326 = tpu.vector_load %arg6[%get3A_324, %get3A_325] {strides = array<i32>} : memref<2x10112xi32, #tpu.memory_space<vmem>>, vector<16xi32>,
      %mul3A_327 = arith.constant 16 : i32
      %mul3A_328 = arith.muli %add3A_56, %mul3A_327 : i32
      %add3A_329 = arith.constant 15 : i32
      %add3A_330 = arith.addi %mul3A_328, %add3A_329 : i32
      %mul3A_331 = arith.constant 16 : i32
      %mul3A_332 = arith.muli %add3A_330, %mul3A_331 : i32
      %get3A_333 = arith.index_cast %mul3A_332 : i32 to index
      %get3A_334 = tpu.vector_load %arg5[%get3A_333] {strides = array<i32>} : memref<10000xf32, #tpu.memory_space<vmem>>, vector<16xf32>,
      %add3A_335 = arith.addi %select_n3A_11, %mul3A_332 : i32
      %get3A_336 = arith.constant 0 : i32
      %get3A_337 = arith.index_cast %get3A_336 : i32 to index
      %get3A_338 = arith.index_cast %add3A_335 : i32 to index
      %get3A_339 = tpu.vector_load %arg6[%get3A_337, %get3A_338] {strides = array<i32>} : memref<2x10112xi32, #tpu.memory_space<vmem>>, vector<16xi32>,
      %add3A_340 = arith.addi %select_n3A_11, %mul3A_332 : i32
      %get3A_341 = arith.constant 1 : i32
      %get3A_342 = arith.index_cast %get3A_341 : i32 to index
      %get3A_343 = arith.index_cast %add3A_340 : i32 to index
      %get3A_344 = tpu.vector_load %arg6[%get3A_342, %get3A_343] {strides = array<i32>} : memref<2x10112xi32, #tpu.memory_space<vmem>>, vector<16xi32>,
      tpu.vector_store_idx %arg7[%get3A_69], %get3A_64 {add = true} : memref<10240xf32, #tpu.memory_space<vmem>>[vector<16xi32>], vector<16xf32>,
      tpu.vector_store_idx %arg7[%get3A_74], %get3A_64 {add = true} : memref<10240xf32, #tpu.memory_space<vmem>>[vector<16xi32>], vector<16xf32>,
      tpu.vector_store_idx %arg7[%get3A_87], %get3A_82 {add = true} : memref<10240xf32, #tpu.memory_space<vmem>>[vector<16xi32>], vector<16xf32>,
      tpu.vector_store_idx %arg7[%get3A_92], %get3A_82 {add = true} : memref<10240xf32, #tpu.memory_space<vmem>>[vector<16xi32>], vector<16xf32>,
      tpu.vector_store_idx %arg7[%get3A_105], %get3A_100 {add = true} : memref<10240xf32, #tpu.memory_space<vmem>>[vector<16xi32>], vector<16xf32>,
      tpu.vector_store_idx %arg7[%get3A_110], %get3A_100 {add = true} : memref<10240xf32, #tpu.memory_space<vmem>>[vector<16xi32>], vector<16xf32>,
      tpu.vector_store_idx %arg7[%get3A_123], %get3A_118 {add = true} : memref<10240xf32, #tpu.memory_space<vmem>>[vector<16xi32>], vector<16xf32>,
      tpu.vector_store_idx %arg7[%get3A_128], %get3A_118 {add = true} : memref<10240xf32, #tpu.memory_space<vmem>>[vector<16xi32>], vector<16xf32>,
      tpu.vector_store_idx %arg7[%get3A_141], %get3A_136 {add = true} : memref<10240xf32, #tpu.memory_space<vmem>>[vector<16xi32>], vector<16xf32>,
      tpu.vector_store_idx %arg7[%get3A_146], %get3A_136 {add = true} : memref<10240xf32, #tpu.memory_space<vmem>>[vector<16xi32>], vector<16xf32>,
      tpu.vector_store_idx %arg7[%get3A_159], %get3A_154 {add = true} : memref<10240xf32, #tpu.memory_space<vmem>>[vector<16xi32>], vector<16xf32>,
      tpu.vector_store_idx %arg7[%get3A_164], %get3A_154 {add = true} : memref<10240xf32, #tpu.memory_space<vmem>>[vector<16xi32>], vector<16xf32>,
      tpu.vector_store_idx %arg7[%get3A_177], %get3A_172 {add = true} : memref<10240xf32, #tpu.memory_space<vmem>>[vector<16xi32>], vector<16xf32>,
      tpu.vector_store_idx %arg7[%get3A_182], %get3A_172 {add = true} : memref<10240xf32, #tpu.memory_space<vmem>>[vector<16xi32>], vector<16xf32>,
      tpu.vector_store_idx %arg7[%get3A_195], %get3A_190 {add = true} : memref<10240xf32, #tpu.memory_space<vmem>>[vector<16xi32>], vector<16xf32>,
      tpu.vector_store_idx %arg7[%get3A_200], %get3A_190 {add = true} : memref<10240xf32, #tpu.memory_space<vmem>>[vector<16xi32>], vector<16xf32>,
      tpu.vector_store_idx %arg7[%get3A_213], %get3A_208 {add = true} : memref<10240xf32, #tpu.memory_space<vmem>>[vector<16xi32>], vector<16xf32>,
      tpu.vector_store_idx %arg7[%get3A_218], %get3A_208 {add = true} : memref<10240xf32, #tpu.memory_space<vmem>>[vector<16xi32>], vector<16xf32>,
      tpu.vector_store_idx %arg7[%get3A_231], %get3A_226 {add = true} : memref<10240xf32, #tpu.memory_space<vmem>>[vector<16xi32>], vector<16xf32>,
      tpu.vector_store_idx %arg7[%get3A_236], %get3A_226 {add = true} : memref<10240xf32, #tpu.memory_space<vmem>>[vector<16xi32>], vector<16xf32>,
      tpu.vector_store_idx %arg7[%get3A_249], %get3A_244 {add = true} : memref<10240xf32, #tpu.memory_space<vmem>>[vector<16xi32>], vector<16xf32>,
      tpu.vector_store_idx %arg7[%get3A_254], %get3A_244 {add = true} : memref<10240xf32, #tpu.memory_space<vmem>>[vector<16xi32>], vector<16xf32>,
      tpu.vector_store_idx %arg7[%get3A_267], %get3A_262 {add = true} : memref<10240xf32, #tpu.memory_space<vmem>>[vector<16xi32>], vector<16xf32>,
      tpu.vector_store_idx %arg7[%get3A_272], %get3A_262 {add = true} : memref<10240xf32, #tpu.memory_space<vmem>>[vector<16xi32>], vector<16xf32>,
      tpu.vector_store_idx %arg7[%get3A_285], %get3A_280 {add = true} : memref<10240xf32, #tpu.memory_space<vmem>>[vector<16xi32>], vector<16xf32>,
      tpu.vector_store_idx %arg7[%get3A_290], %get3A_280 {add = true} : memref<10240xf32, #tpu.memory_space<vmem>>[vector<16xi32>], vector<16xf32>,
      tpu.vector_store_idx %arg7[%get3A_303], %get3A_298 {add = true} : memref<10240xf32, #tpu.memory_space<vmem>>[vector<16xi32>], vector<16xf32>,
      tpu.vector_store_idx %arg7[%get3A_308], %get3A_298 {add = true} : memref<10240xf32, #tpu.memory_space<vmem>>[vector<16xi32>], vector<16xf32>,
      tpu.vector_store_idx %arg7[%get3A_321], %get3A_316 {add = true} : memref<10240xf32, #tpu.memory_space<vmem>>[vector<16xi32>], vector<16xf32>,
      tpu.vector_store_idx %arg7[%get3A_326], %get3A_316 {add = true} : memref<10240xf32, #tpu.memory_space<vmem>>[vector<16xi32>], vector<16xf32>,
      tpu.vector_store_idx %arg7[%get3A_339], %get3A_334 {add = true} : memref<10240xf32, #tpu.memory_space<vmem>>[vector<16xi32>], vector<16xf32>,
      tpu.vector_store_idx %arg7[%get3A_344], %get3A_334 {add = true} : memref<10240xf32, #tpu.memory_space<vmem>>[vector<16xi32>], vector<16xf32>,
    }
    %scan3A_30 = arith.constant 39 : i32
    %scan3A_31 = arith.constant 0 : i32
    %mul3A_32 = arith.constant 1 : i32
    %mul3A_33 = arith.muli %scan3A_31, %mul3A_32 : i32
    %add3A_34 = arith.constant 624 : i32
    %add3A_35 = arith.addi %add3A_34, %mul3A_33 : i32
    %mul3A_36 = arith.constant 16 : i32
    %mul3A_37 = arith.muli %add3A_35, %mul3A_36 : i32
    %get3A = arith.index_cast %mul3A_37 : i32 to index
    %get3A_38 = tpu.vector_load %arg5[%get3A] {strides = array<i32>} : memref<10000xf32, #tpu.memory_space<vmem>>, vector<16xf32>,
    %add3A_39 = arith.addi %select_n3A_11, %mul3A_37 : i32
    %get3A_40 = arith.constant 0 : i32
    %get3A_41 = arith.index_cast %get3A_40 : i32 to index
    %get3A_42 = arith.index_cast %add3A_39 : i32 to index
    %get3A_43 = tpu.vector_load %arg6[%get3A_41, %get3A_42] {strides = array<i32>} : memref<2x10112xi32, #tpu.memory_space<vmem>>, vector<16xi32>,
    %add3A_44 = arith.addi %select_n3A_11, %mul3A_37 : i32
    %get3A_45 = arith.constant 1 : i32
    %get3A_46 = arith.index_cast %get3A_45 : i32 to index
    %get3A_47 = arith.index_cast %add3A_44 : i32 to index
    %get3A_48 = tpu.vector_load %arg6[%get3A_46, %get3A_47] {strides = array<i32>} : memref<2x10112xi32, #tpu.memory_space<vmem>>, vector<16xi32>,
    tpu.vector_store_idx %arg7[%get3A_43], %get3A_38 {add = true} : memref<10240xf32, #tpu.memory_space<vmem>>[vector<16xi32>], vector<16xf32>,
    tpu.vector_store_idx %arg7[%get3A_48], %get3A_38 {add = true} : memref<10240xf32, #tpu.memory_space<vmem>>[vector<16xi32>], vector<16xf32>,
    %scan3A_49 = arith.constant 1 : i32
    %mul3A_50 = arith.constant 10240 : i32
    %mul3A_51 = arith.muli %add3A, %mul3A_50 : i32
    "tpu.region"() ({
      %run_scoped3A = tpu.sem_alloc : memref<!tpu.dma_semaphore, #tpu.memory_space<semaphore_mem>>
      %dma_start3A_52 = tpu.memref_slice %arg4[%mul3A_51] : memref<327680xf32, #tpu.memory_space<hbm>> -> memref<10240xf32, #tpu.memory_space<hbm>>
      %dma_start3A_53 = tpu.memref_slice %arg4[%mul3A_51] : memref<327680xf32, #tpu.memory_space<hbm>> -> memref<10240xf32, #tpu.memory_space<hbm>>
      tpu.enqueue_dma source(%arg7 : memref<10240xf32, #tpu.memory_space<vmem>>) target(%dma_start3A_53 : memref<10240xf32, #tpu.memory_space<hbm>>) target_semaphore(%run_scoped3A : memref<!tpu.dma_semaphore, #tpu.memory_space<semaphore_mem>>)
      %dma_wait3A_54 = tpu.memref_slice %arg4[%mul3A_51] : memref<327680xf32, #tpu.memory_space<hbm>> -> memref<10240xf32, #tpu.memory_space<hbm>>
      %dma_wait3A_55 = tpu.memref_slice %arg4[%mul3A_51] : memref<327680xf32, #tpu.memory_space<hbm>> -> memref<10240xf32, #tpu.memory_space<hbm>>
      tpu.wait_dma2 semaphore(%run_scoped3A : memref<!tpu.dma_semaphore, #tpu.memory_space<semaphore_mem>>) src(%arg7 : memref<10240xf32, #tpu.memory_space<vmem>>) dst(%dma_wait3A_55 : memref<10240xf32, #tpu.memory_space<hbm>>)
      tpu.yield
    }) : () -> ()
    return
  }
}

module attributes {stable_mosaic.version = 14 : i64} {
  func.func @body(%arg0: memref<2560x128xf32, #tpu.memory_space<vmem>>, %arg1: memref<80x128xf32, #tpu.memory_space<vmem>>) attributes {dimension_semantics = [], scalar_prefetch = 0 : i64, scratch_operands = 0 : i64, tpu.core_type = #tpu.core_type<tc>} {
    %get3A = arith.constant 0 : index
    %get3A_0 = arith.constant 0 : index
    %get3A_1 = vector.load %arg0[%get3A, %get3A_0] : memref<2560x128xf32, #tpu.memory_space<vmem>>, vector<2560x128xf32>
    %reshape3A = vector.shape_cast %get3A_1 : vector<2560x128xf32> to vector<32x80x128xf32>
    %reduce_sum3A = arith.constant dense<0.000000e+00> : vector<80x128xf32>
    %reduce_sum3A_2 = vector.multi_reduction <add>, %reshape3A, %reduce_sum3A [0] : vector<32x80x128xf32> to vector<80x128xf32>
    %swap3A = arith.constant 0 : index
    %swap3A_3 = arith.constant 0 : index
    %swap3A_4 = vector.load %arg1[%swap3A, %swap3A_3] : memref<80x128xf32, #tpu.memory_space<vmem>>, vector<80x128xf32>
    tpu.vector_store %arg1[%swap3A, %swap3A_3], %reduce_sum3A_2 {strides = array<i32>} : memref<80x128xf32, #tpu.memory_space<vmem>>, vector<80x128xf32>,
    return
  }
}

module attributes {stable_mosaic.version = 14 : i64} {
  func.func @body(%arg0: i32, %arg1: memref<1x1xf32, #tpu.memory_space<smem>>, %arg2: memref<163840xf32, #tpu.memory_space<vmem>>, %arg3: memref<163840xf32, #tpu.memory_space<vmem>>) attributes {dimension_semantics = [#tpu.dimension_semantics<arbitrary>], iteration_bounds = array<i64: 2>, scalar_prefetch = 0 : i64, scratch_operands = 0 : i64, tpu.core_type = #tpu.core_type<tc>, window_params = [{transform_indices = @transform_0, window_bounds = array<i64: 1, 1>}, {transform_indices = @transform_1, window_bounds = array<i64: 163840>}, {transform_indices = @transform_2, window_bounds = array<i64: 163840>}]} {
    %get3A = arith.constant 0 : index
    %get3A_0 = vector.load %arg2[%get3A] : memref<163840xf32, #tpu.memory_space<vmem>>, vector<163840xf32>
    %max3A = arith.constant 2.000000e-01 : f32
    %max3A_1 = vector.broadcast %max3A : f32 to vector<163840xf32>
    %max3A_2 = arith.maximumf %get3A_0, %max3A_1 : vector<163840xf32>
    %get3A_3 = arith.constant 0 : index
    %get3A_4 = arith.constant 0 : index
    %get3A_5 = memref.load %arg1[%get3A_3, %get3A_4] : memref<1x1xf32, #tpu.memory_space<smem>>
    %div3A = arith.constant 1.000000e+00 : f32
    %div3A_6 = arith.divf %div3A, %get3A_5 : f32
    %mul3A = vector.broadcast %div3A_6 : f32 to vector<163840xf32>
    %mul3A_7 = arith.mulf %max3A_2, %mul3A : vector<163840xf32>
    %jit3A = arith.constant 0.000000e+00 : f32
    %jit3A_8 = arith.constant 1.000000e+00 : f32
    %max3A_9 = vector.broadcast %jit3A : f32 to vector<163840xf32>
    %max3A_10 = arith.maximumf %max3A_9, %mul3A_7 : vector<163840xf32>
    %min3A = vector.broadcast %jit3A_8 : f32 to vector<163840xf32>
    %min3A_11 = arith.minimumf %min3A, %max3A_10 : vector<163840xf32>
    %sub3A = arith.constant 1.000000e+00 : f32
    %sub3A_12 = vector.broadcast %sub3A : f32 to vector<163840xf32>
    %sub3A_13 = arith.subf %sub3A_12, %min3A_11 : vector<163840xf32>
    %mul3A_14 = arith.mulf %sub3A_13, %sub3A_13 : vector<163840xf32>
    %mul3A_15 = arith.mulf %mul3A_14, %sub3A_13 : vector<163840xf32>
    %mul3A_16 = arith.mulf %mul3A_15, %mul3A_15 : vector<163840xf32>
    %mul3A_17 = arith.mulf %max3A_2, %max3A_2 : vector<163840xf32>
    %mul3A_18 = arith.mulf %mul3A_17, %mul3A_17 : vector<163840xf32>
    %mul3A_19 = arith.mulf %mul3A_18, %mul3A_18 : vector<163840xf32>
    %mul3A_20 = arith.mulf %mul3A_19, %mul3A_18 : vector<163840xf32>
    %sub3A_21 = arith.constant 8.000000e-01 : f32
    %sub3A_22 = vector.broadcast %sub3A_21 : f32 to vector<163840xf32>
    %sub3A_23 = arith.subf %sub3A_22, %max3A_2 : vector<163840xf32>
    %mul3A_24 = arith.constant 1.000000e+01 : f32
    %mul3A_25 = vector.broadcast %mul3A_24 : f32 to vector<163840xf32>
    %mul3A_26 = arith.mulf %sub3A_23, %mul3A_25 : vector<163840xf32>
    %jit3A_27 = arith.constant 0.000000e+00 : f32
    %jit3A_28 = arith.constant 1.000000e+00 : f32
    %max3A_29 = vector.broadcast %jit3A_27 : f32 to vector<163840xf32>
    %max3A_30 = arith.maximumf %max3A_29, %mul3A_26 : vector<163840xf32>
    %min3A_31 = vector.broadcast %jit3A_28 : f32 to vector<163840xf32>
    %min3A_32 = arith.minimumf %min3A_31, %max3A_30 : vector<163840xf32>
    %mul3A_33 = arith.mulf %min3A_32, %min3A_32 : vector<163840xf32>
    %mul3A_34 = arith.constant 2.000000e+00 : f32
    %mul3A_35 = vector.broadcast %mul3A_34 : f32 to vector<163840xf32>
    %mul3A_36 = arith.mulf %mul3A_35, %min3A_32 : vector<163840xf32>
    %sub3A_37 = arith.constant 3.000000e+00 : f32
    %sub3A_38 = vector.broadcast %sub3A_37 : f32 to vector<163840xf32>
    %sub3A_39 = arith.subf %sub3A_38, %mul3A_36 : vector<163840xf32>
    %mul3A_40 = arith.mulf %mul3A_33, %sub3A_39 : vector<163840xf32>
    %div3A_41 = arith.divf %mul3A_16, %mul3A_20 : vector<163840xf32>
    %mul3A_42 = arith.mulf %div3A_41, %mul3A_40 : vector<163840xf32>
    %mul3A_43 = arith.constant 2.500000e-01 : f32
    %mul3A_44 = vector.broadcast %mul3A_43 : f32 to vector<163840xf32>
    %mul3A_45 = arith.mulf %mul3A_42, %mul3A_44 : vector<163840xf32>
    %swap3A = arith.constant 0 : index
    %swap3A_46 = vector.load %arg3[%swap3A] : memref<163840xf32, #tpu.memory_space<vmem>>, vector<163840xf32>
    tpu.vector_store %arg3[%swap3A], %mul3A_45 {strides = array<i32>} : memref<163840xf32, #tpu.memory_space<vmem>>, vector<163840xf32>,
    return
  }
  func.func @transform_0(%arg0: i32) -> (i32, i32) {
    %c0_i32 = arith.constant 0 : i32
    %c0_i32_0 = arith.constant 0 : i32
    %c0_i32_1 = arith.constant 0 : i32
    return %c0_i32, %c0_i32_0 : i32, i32
  }
  func.func @transform_1(%arg0: i32) -> i32 {
    %c0_i32 = arith.constant 0 : i32
    return %arg0 : i32
  }
  func.func @transform_2(%arg0: i32) -> i32 {
    %c0_i32 = arith.constant 0 : i32
    return %arg0 : i32
  }
}

</mosaic_0001>

<sc_bundles>
// kernel: kernel.5.cloned.1.call-start
scs
__scs_entry_jumppad:
0x0: {  	(pc) =	sbr.rel $0x88, $3  }
0x1: {  	(tag) =	ssettag $0x0;
	lr =	simm.s32 $0x1  }
0x2: {  	[smem:$0x3F9E] =	sst lr;
	_ =	strace $0xD0000000  }
0x3: {  	_ = 	snop  }
0x4: {  	_ = 	snop  }
0x5: {  	_ = 	snop  }
0x6: {  	_ = 	snop  }
0x7: {  	_ = 	snop  }
__scs_overlays_trampoline_lowered:
0x8: {  	[smem:$0x3FAD] =	sst s0  }
0x9: {  	[smem:$0x3FAE] =	sst s1  }
0xa: {  	[smem:$0x3FAF] =	sst s2  }
0xb: {  	[smem:$0x3FB0] =	sst s3  }
0xc: {  	[smem:$0x3FB1] =	sst s4  }
0xd: {  	[smem:$0x3FB2] =	sst s5  }
0xe: {  	[smem:$0x3FB3] =	sst s6  }
0xf: {  	[smem:$0x3FB4] =	sst s7  }
0x10: {  	[smem:$0x3FB5] =	sst s8  }
0x11: {  	[smem:$0x3FB6] =	sst s9;
	s0 =	simm.s32 @!p0 $0x0  }
0x12: {  	s1 =	sld [smem:$0x3F9C];
	s0 =	simm.s32 @p0 $0x1  }
0x13: {  	[smem:$0x3FB7] =	sst s0;
	s0 =	simm.s32 @!p1 $0x0  }
0x14: {  	s2 =	sld [smem:$0x3F9B];
	s0 =	simm.s32 @p1 $0x1  }
0x15: {  	[smem:$0x3FB8] =	sst s0;
	s0 =	simm.s32 @!p2 $0x0  }
0x16: {  	s3 =	sld [smem:$0x3FDB];
	s0 =	simm.s32 @p2 $0x1  }
0x17: {  	s4 =	simm.s32 $0x1BF5;
	[smem:$0x3FBA] =	sst s0  }
0x18: {  	s0 =	sld [smem:$0x3F9D];
	_ =	swait.ge [sflag:s4], $0x0  }
0x19: {  	s7 =	sld [smem:$0x3F9E]  }
0x1a: {  	s8 =	sadd.s32 $0xFFFFE003, lr  }
0x1b: {  	s9 =	sadd.s32 $0xFFFFFEF7, lr;
	s5 =	simm.s32 $0xFFFFFFFF;
	p2 =	slt.u32 s8, $0xFFFFF086  }
0x1c: {  	p1 =	slt.u32 s9, $0xF7A;
	s5 =	simm.s32 @!p2 $0x0  }
0x1d: {  	s5 =	simm.s32 @p1 $0x1;
	p0 =	seq.s32 s7, s2  }
0x1e: {  	s7 =	smul.u32 @!p0 $0xF7A, s2;
	p2 =	seq.s32 @!p0 s5, $0x0  }
0x1f: {  	s9 =	smul.u32 $0xF7A, s1;
	s8 =	simm.s32 @!p0 $0x1BF5;
	p2 =	por !p2, p0  }
0x20: {  	[sflag:s8] =	ssyncset.s32 @!p0 $0xFFFFF086;
	s6 =	sadd.s32 @!p0 s3, s7;
	s7 =	simm.s32 @!p0 $0x108  }
0x21: {  	s3 =	sadd.s32 s3, s9;
	s6 =	sadd.s32 @!p0 $0x88, s6;
	s7 =	simm.s32 @p2 $0x1082  }
0x22: {  	[simem:s7], [sflag:s8] =	dma.local @!p0 [hbm:s6], $0xF7A  }
0x23: {  	s9 =	sor.u32 $0xD0000000, s2;
	s6 =	simm.s32 $0x108;
	_ =	swait.ge @!p0 [sflag:s8], $0x0  }
0x24: {  	s3 =	sadd.s32 $0x88, s3;
	s6 =	simm.s32 @!p1 $0x1082;
	[sflag:s4] =	ssyncset.s32 $0xFFFFF086  }
0x25: {  	[simem:s6], [sflag:s4] =	dma.local [hbm:s3], $0xF7A  }
0x26: {  	[smem:$0x3F9E] =	sst s1;
	(tag) =	ssettag s2;
	_ =	strace s9  }
0x27: {  	s1 =	sld [smem:$0x3FAE]  }
0x28: {  	s2 =	sld [smem:$0x3FAF]  }
0x29: {  	s4 =	sld [smem:$0x3FB1]  }
0x2a: {  	p0 =	seq.s32 s5, $0x0;
	s5 =	sld [smem:$0x3FB2]  }
0x2b: {  	s6 =	sld [smem:$0x3FB3]  }
0x2c: {  	s7 =	sld [smem:$0x3FB4]  }
0x2d: {  	s3 =	simm.s32 $0x108;
	s8 =	sld [smem:$0x3FB5]  }
0x2e: {  	s3 =	simm.s32 @!p0 $0x1082;
	s9 =	sld [smem:$0x3FB6]  }
0x2f: {  	lr =	sadd.s32 s0, s3;
	s0 =	sld [smem:$0x3FAD]  }
0x30: {  	s3 =	sld [smem:$0x3FB0]  }
0x31: {  	[smem:$0x3FB9] =	sst s10  }
0x32: {  	s10 =	sld [smem:$0x3FB7];
	_ =	sdelay $0x3  }
0x33: {  	p0 =	seq.s32 s10, $0x1;
	s10 =	sld [smem:$0x3FB9];
	_ =	sdelay $0x3  }
0x34: {  	[smem:$0x3FB9] =	sst s10  }
0x35: {  	s10 =	sld [smem:$0x3FB8];
	_ =	sdelay $0x3  }
0x36: {  	p1 =	seq.s32 s10, $0x1;
	s10 =	sld [smem:$0x3FB9];
	_ =	sdelay $0x3  }
0x37: {  	[smem:$0x3FB9] =	sst s10  }
0x38: {  	s10 =	sld [smem:$0x3FBA]  }
0x39: {  	_ = 	snop;
	(pc) =	sbr.ind lr, $3  }
0x3a: {  	_ = 	snop  }
0x3b: {  	_ = 	snop  }
0x3c: {  	p2 =	seq.s32 s10, $0x1;
	s10 =	sld [smem:$0x3FB9]  }
0x3d: {  	_ =	shalt  }
0x3e: {  	_ =	shalt  }
0x3f: {  	_ =	shalt  }
0x40: {  	_ =	shalt  }
0x41: {  	_ =	shalt  }
0x42: {  	_ =	shalt  }
0x43: {  	_ =	shalt  }
0x44: {  	_ =	shalt  }
0x45: {  	_ =	shalt  }
0x46: {  	_ =	shalt  }
0x47: {  	_ =	shalt  }
0x48: {  	_ =	shalt  }
0x49: {  	_ =	shalt  }
0x4a: {  	_ =	shalt  }
0x4b: {  	_ =	shalt  }
0x4c: {  	_ =	shalt  }
0x4d: {  	_ =	shalt  }
0x4e: {  	_ =	shalt  }
0x4f: {  	_ =	shalt  }
0x50: {  	_ =	shalt  }
0x51: {  	_ =	shalt  }
0x52: {  	_ =	shalt  }
0x53: {  	_ =	shalt  }
0x54: {  	_ =	shalt  }
0x55: {  	_ =	shalt  }
0x56: {  	_ =	shalt  }
0x57: {  	_ =	shalt  }
0x58: {  	_ =	shalt  }
0x59: {  	_ =	shalt  }
0x5a: {  	_ =	shalt  }
0x5b: {  	_ =	shalt  }
0x5c: {  	_ =	shalt  }
0x5d: {  	_ =	shalt  }
0x5e: {  	_ =	shalt  }
0x5f: {  	_ =	shalt  }
0x60: {  	_ =	shalt  }
0x61: {  	_ =	shalt  }
0x62: {  	_ =	shalt  }
0x63: {  	_ =	shalt  }
0x64: {  	_ =	shalt  }
0x65: {  	_ =	shalt  }
0x66: {  	_ =	shalt  }
0x67: {  	_ =	shalt  }
0x68: {  	_ =	shalt  }
0x69: {  	_ =	shalt  }
0x6a: {  	_ =	shalt  }
0x6b: {  	_ =	shalt  }
0x6c: {  	_ =	shalt  }
0x6d: {  	_ =	shalt  }
0x6e: {  	_ =	shalt  }
0x6f: {  	_ =	shalt  }
0x70: {  	_ =	shalt  }
0x71: {  	_ =	shalt  }
0x72: {  	_ =	shalt  }
0x73: {  	_ =	shalt  }
0x74: {  	_ =	shalt  }
0x75: {  	_ =	shalt  }
0x76: {  	_ =	shalt  }
0x77: {  	_ =	shalt  }
0x78: {  	_ =	shalt  }
0x79: {  	_ =	shalt  }
0x7a: {  	_ =	shalt  }
0x7b: {  	_ =	shalt  }
0x7c: {  	_ =	shalt  }
0x7d: {  	_ =	shalt  }
0x7e: {  	_ =	shalt  }
0x7f: {  	_ =	shalt  }
0x80: {  	_ =	shalt  }
0x81: {  	_ =	shalt  }
0x82: {  	_ =	shalt  }
0x83: {  	_ =	shalt  }
0x84: {  	_ =	shalt  }
0x85: {  	_ =	shalt  }
0x86: {  	_ =	shalt  }
0x87: {  	_ =	shalt  }
.Lfunc_end0:
.L_simem_size_0:
called_computation_lowered:
.L_overlay_start_0:
0x88: {  	s2 =	sld [smem:$0x3FD9]  }
0x89: {  	s3 =	sld [smem:$0x3FFE];
	_ =	sdelay $0x1  }
0x8a: {  	s1 =	srdreg.scid  }
0x8b: {  	s0 =	sand.u32 $0x1, s1  }
0x8c: {  	s17 =	sshll.u32 s0, $0xA;
	s2 =	sadd.s32 s3, s2  }
0x8d: {  	s2 =	sadd.s32 s2, s17  }
0x8e: {  	[smem:$0x3FC5] =	sst s2  }
0x8f: {  	_ = 	snop  }
0x90: {  	s2 =	sld [smem:$0x3FC8];
	(tm) =	ssettm $0x1  }
0x91: {  	s18 =	sld [smem:$0x3FFB];
	_ =	sdelay $0x3  }
0x92: {  	_ =	strace s18  }
0x93: {  	s3 =	sld [smem:$0x3FFC];
	_ =	sdelay $0x3  }
0x94: {  	_ =	strace s3  }
0x95: {  	s3 =	sld [smem:$0x3FFD];
	_ =	sdelay $0x3  }
0x96: {  	_ =	strace s3  }
0x97: {  	_ =	strace $0x8FFFFFFF  }
0x98: {  	s19 =	sld [smem:$0x3FDB];
	_ =	sdelay $0x1  }
0x99: {  	s4 =	simm.s32 $_scs_section_size  }
0x9a: {  	s5 =	simm.s32 $_size__tile_overlayer_lowered;
	s6 =	simm.s32 $_tile_overlayer_lowered  }
0x9b: {  	s22 =	simm.s32 $0x1BFF;
	s21 =	sshll.u32 s6, $0x1;
	s3 =	sadd.s32 s4, s19  }
0x9c: {  	s7 =	simm.s32 $0x0;
	s20 =	sshll.u32 s5, $0x1;
	s5 =	sadd.s32 s21, s3  }
0x9d: {  	[timem:s7], [sflag:s22] =	dma.local [hbm:s5], s20  }
0x9e: {  	_ =	swait.ge [sflag:s22], s20  }
0x9f: {  	s4 =	ssub.s32 $0x0, s20;
	[sflag:s22] =	ssyncset.done $0x0  }
0xa0: {  	[sflag:s22] =	ssyncadd.s32 s4;
	_ =	sdelay $0x1  }
0xa1: {  	s23 =	simm.s32 $0x1B8B  }
0xa2: {  	_ =	swait.ge [sflag:s23], $0x1  }
0xa3: {  	[sflag:s23] =	ssyncset.done $0x0  }
0xa4: {  	s25 =	simm.s32 $0x1B8E;
	s24 =	sld [smem:$0x3FFE];
	[sflag:s23] =	ssyncadd.s32 $0xFFFFFFFF  }
0xa5: {  	s26 =	simm.s32 $execute0_lowered;
	[smem:$0x3FD2] =	sst s25  }
0xa6: {  	s5 =	sshll.u32 s26, $0x1;
	_ =	strace $0x80000046;
	[dreg:$0x1] =	wrdreg $0xFFFFFFFF  }
0xa7: {  	s28 =	simm.s32 $_size_execute0_lowered;
	s3 =	sadd.s32 s3, s5;
	[dreg:$0x0] =	wrdreg $0x0  }
0xa8: {  	s5 =	sshll.u32 s28, $0x1;
	[dreg:$0x2] =	wrdreg s3  }
0xa9: {  	[dreg:$0x3] =	wrdreg s5  }
0xaa: {  	[dreg:$0x4] =	wrdreg $0xC0  }
0xab: {  	_ =	task [dreg:s7], $0x5FFFF  }
0xac: {  	[dreg:$0x1] =	wrdreg $0xFFFFFFFF  }
0xad: {  	[dreg:$0x0] =	wrdreg $0x60  }
0xae: {  	[dreg:$0x2] =	wrdreg s24  }
0xaf: {  	[dreg:$0x3] =	wrdreg s2  }
0xb0: {  	[dreg:$0x4] =	wrdreg $0x9  }
0xb1: {  	_ =	task.clear_ibuf [dreg:s7], $0x5FFFF;
	_ =	strace $0x90000046  }
0xb2: {  	s29 =	simm.s32 $0x9;
	_ =	strace $0x80000048  }
0xb3: {  	_ =	swait.ge [sflag:s29], $0x1  }
0xb4: {  	[sflag:s29] =	ssyncadd.s32 $0xFFFFFFFF  }
0xb5: {  	_ =	strace $0x90000048  }
0xb6: {  	_ =	sfence  }
0xb7: {  	s30 =	sld [smem:$0x0];
	_ =	sdelay $0x2  }
0xb8: {  	s31 =	sshll.u32 s1, $0xD;
	s1 =	sshrl.u32 s1, $0x2  }
0xb9: {  	s3 =	sand.u32 $0x4000, s31;
	s1 =	sadd.s32 s1, s30  }
0xba: {  	s0 =	sor.u32 s3, s0;
	s1 =	sshll.u32 s1, $0x11  }
0xbb: {  	s0 =	sor.u32 s1, s0  }
0xbc: {  	s0 =	sadd.s32 $0x8F2B, s0  }
0xbd: {  	[sflag:s0] =	ssyncadd.remote.s32 $0x1  }
0xbe: {  	_ =	sfence.sel $0xFFFF  }
0xbf: {  	[dreg:$0x0] =	wrdreg $0xFFFFFFFF;
	(pc) =	sbr.abs _section_cstart, $3  }
0xc0: {  	[dreg:$0x1] =	wrdreg $0xFFFFFFFF  }
0xc1: {  	_ =	task.clear_ibuf [dreg:s7], $0x2FFFF;
	_ =	strace $0x9FFFFFFF  }
0xc2: {  	(tm) =	ssettm $0x7FFFFFFF  }
0xc3: {  	_ =	shalt  }
tec
execute0_lowered:
.L_overlay_start_1:
0x0: {  	(tag) =	ssettag $0x1  }
0x1: {  	s6 =	rddreg [dreg:$0x0]  }
0x2: {  	s0 =	srdreg.scid;
	s9 =	rddreg [dreg:$0x1]  }
0x3: {  	s2 =	simm.s32 $0x0;
	s3 =	sand.u32 $0x1, s0;
	s0 =	stileid.u32  }
0x4: {  	[smem:$0x7FF] =	sst s2;
	s1 =	sshll.u32 s3, $0x4;
	s8 =	smul.u32 $0x2710, s0  }
0x5: {  	s3 =	ssub.s32 $0x2, s3;
	s20 =	sadd.s32 $0x6, s0;
	s14 =	sadd.s32 $0x5, s0  }
0x6: {  	s17 =	sshll.u32 s0, $0x6;
	s18 =	sadd.s32 $0x3, s0;
	s29 =	sadd.s32 $0x2, s0  }
0x7: {  	s31 =	sadd.s32 $0x1, s0;
	s7 =	sor.u32 s0, s1;
	s1 =	rddreg [dreg:$0x2]  }
0x8: {  	s12 =	sshrl.u32 s3, $0x1;
	s14 =	sand.u32 $0x7, s14;
	s4 =	smul.u32 $0x2710, s7  }
0x9: {  	s17 =	sxor.u32 $0x100, s17;
	s18 =	sand.u32 $0x7, s18;
	s11 =	smul.u32 $0x500, s7  }
0xa: {  	_ =	strace $0x80000047;
	s13 =	smul.u32 $0x9C4, s7;
	s10 =	sshrl.u32 s8, $0x4  }
0xb: {  	s7 =	ssub.s32 s3, s12;
	s12 =	sand.u32 $0x7, s20;
	s14 =	sshll.u32 s14, $0x6  }
0xc: {  	s18 =	sshll.u32 s18, $0x6;
	s8 =	sand.u32 $0x7, s10;
	s12 =	sshll.u32 s12, $0x6  }
0xd: {  	s22 =	sadd.s32 $0xFFFFFFFF, s10;
	s26 =	sadd.s32 $0x1, s10;
	s20 =	sadd.s32 $0x2, s10  }
0xe: {  	s7 =	smax.u32 s7, $0x1;
	s5 =	sshrl.u32 s4, $0x3;
	s19 =	sand.u32 $0x1FFE0, s13  }
0xf: {  	s13 =	sand.u32 $0x7, s22;
	s20 =	sand.u32 $0x7, s20;
	s22 =	sadd.s32 $0x3, s10  }
0x10: {  	s4 =	sand.u32 $0x70, s4;
	s5 =	sadd.s32 s5, s6;
	s6 =	sadd.s32 s11, s6  }
0x11: {  	s11 =	sshll.u32 s8, $0x7;
	s3 =	sadd.s32 s9, s19;
	s16 =	sshll.u32 s13, $0x6  }
0x12: {  	s20 =	sshll.u32 s20, $0x6;
	s22 =	sand.u32 $0x7, s22;
	s8 =	sshll.u32 s8, $0x4  }
0x13: {  	s21 =	sadd.s32 $0x700, s11;
	s23 =	sadd.s32 $0x780, s11;
	s24 =	sadd.s32 $0x680, s11  }
0x14: {  	s15 =	sadd.s32 $0x600, s11;
	s25 =	sadd.s32 $0x80, s11;
	s19 =	sadd.s32 $0x580, s11  }
0x15: {  	s28 =	sadd.s32 $0x500, s11;
	s30 =	sadd.s32 $0x480, s11;
	s22 =	sshll.u32 s22, $0x6  }
0x16: {  	s5 =	sadd.s32 $0xA00, s5;
	s6 =	sadd.s32 $0xA800, s6;
	s8 =	sor.u32 $0x2900, s8  }
0x17: {  	s9 =	sand.u32 $0xC00, s21;
	s13 =	sand.u32 $0xC00, s24;
	s15 =	sand.u32 $0xC00, s15  }
0x18: {  	s19 =	sand.u32 $0xC00, s19;
	s21 =	sadd.s32 $0x100, s11;
	s24 =	sadd.s32 $0x300, s11  }
0x19: {  	s9 =	sor.u32 s12, s9;
	s12 =	sand.u32 $0xC00, s23;
	s13 =	sor.u32 s14, s13  }
0x1a: {  	s14 =	sor.u32 s17, s15;
	s15 =	sand.u32 $0x400, s25;
	s17 =	sand.u32 $0x7, s26  }
0x1b: {  	s21 =	sand.u32 $0x400, s21;
	s23 =	sadd.s32 $0x180, s11;
	s25 =	sadd.s32 $0x3FC, s11  }
0x1c: {  	s24 =	sand.u32 $0x400, s24;
	s26 =	sadd.s32 $0x200, s11;
	s11 =	sadd.s32 $0x280, s11  }
0x1d: {  	s12 =	sor.u32 s16, s12;
	s17 =	sshll.u32 s17, $0x6;
	s23 =	sand.u32 $0x400, s23  }
0x1e: {  	s11 =	sand.u32 $0x400, s11;
	s9 =	sor.u32 $0x200, s9;
	s14 =	sor.u32 $0x200, s14  }
0x1f: {  	s17 =	sor.u32 s17, s15;
	s15 =	sor.u32 s18, s19;
	s18 =	sand.u32 $0xC00, s28  }
0x20: {  	s19 =	sand.u32 $0x7, s29;
	s28 =	sadd.s32 $0x4, s10;
	s9 =	sshrl.u32 s9, $0x2  }
0x21: {  	s29 =	sor.u32 $0x200, s12;
	s19 =	sshll.u32 s19, $0x6;
	s12 =	sadd.s32 $0x2780, s9  }
0x22: {  	s15 =	sor.u32 $0x200, s15;
	s18 =	sor.u32 s19, s18;
	s19 =	sor.u32 s20, s21  }
0x23: {  	s20 =	sand.u32 $0xC00, s30;
	s21 =	sand.u32 $0x7, s31;
	s30 =	sor.u32 $0x200, s17  }
0x24: {  	s31 =	sor.u32 $0x200, s13;
	s13 =	sshrl.u32 s14, $0x2;
	s15 =	sshrl.u32 s15, $0x2  }
0x25: {  	v14 =	vmov s12;
	s12 =	simm.s32 $0x0;
	s21 =	sshll.u32 s21, $0x6;
	s9 =	sshrl.u32 s30, $0x2  }
0x26: {  	s17 =	sor.u32 $0x200, s19;
	s18 =	sor.u32 $0x200, s18;
	s30 =	sadd.s32 $0x2780, s13  }
0x27: {  	s20 =	sor.u32 s21, s20;
	s21 =	sor.u32 s22, s23;
	s23 =	sadd.s32 $0x6, s10  }
0x28: {  	s10 =	sadd.s32 $0x5, s10;
	s9 =	sadd.s32 $0x2780, s9;
	s14 =	sshrl.u32 s17, $0x2  }
0x29: {  	s17 =	sshrl.u32 s18, $0x2;
	s22 =	sand.u32 $0x7, s23;
	s23 =	sand.u32 $0x400, s25  }
0x2a: {  	s10 =	sand.u32 $0x7, s10;
	s14 =	sadd.s32 $0x2780, s14;
	s19 =	sor.u32 $0x200, s20  }
0x2b: {  	s20 =	sor.u32 $0x200, s21;
	v1 =	vmov s9;
	s25 =	sadd.s32 $0x2780, s17;
	s9 =	simm.s32 $0x1  }
0x2c: {  	s22 =	sshll.u32 s22, $0x6;
	s16 =	sor.u32 s16, s23;
	s23 =	sand.u32 $0x400, s26  }
0x2d: {  	s10 =	sshll.u32 s10, $0x6;
	s18 =	sshrl.u32 s19, $0x2;
	s19 =	sshrl.u32 s20, $0x2  }
0x2e: {  	s22 =	sor.u32 s22, s24;
	s24 =	sand.u32 $0x7, s28;
	s10 =	sor.u32 s10, s11  }
0x2f: {  	s11 =	sshrl.u32 s29, $0x2;
	s19 =	sadd.s32 $0x2780, s19;
	s16 =	sshrl.u32 s16, $0x2  }
0x30: {  	s26 =	sadd.s32 $0x2780, s18;
	s29 =	sshrl.u32 s31, $0x2;
	s24 =	sshll.u32 s24, $0x6  }
0x31: {  	v11 =	vimm.f32 $0.0e+00;
	v0 =	vmov s8;
	s31 =	sadd.s32 $0x2780, s15;
	s22 =	sshrl.u32 s22, $0x2;
	s23 =	sor.u32 s24, s23  }
0x32: {  	v12 =	vmov s30;
	v2 =	vmov s14;
	v9 =	vmov s25;
	s10 =	sshrl.u32 s10, $0x2;
	s28 =	sadd.s32 $0x2780, s16;
	s21 =	sor.u32 $0x200, s23  }
0x33: {  	v3 =	vmov s19;
	v8 =	vmov s26;
	v10 =	vmov s31;
	s8 =	sadd.s32 $0x2780, s22;
	s10 =	sadd.s32 $0x2780, s10;
	s20 =	sshrl.u32 s21, $0x2  }
0x34: {  	s24 =	sadd.s32 $0x2780, s11;
	v7 =	vmov s28;
	s11 =	sadd.s32 $0x2780, s29;
	v5 =	vmov s10;
	v6 =	vmov s8;
	s23 =	sadd.s32 $0x2780, s20  }
0x35: {  	s8 =	simm.s32 $0x2780;
	v13 =	vmov s11;
	s10 =	simm.s32 $0x7680;
	s11 =	simm.s32 $0x2;
	v15 =	vmov s24;
	v4 =	vmov s23  }
.LBB2_1:
0x36: {  	[tilespmem:s2], [sflag:$0x1] =	stream.linear.gather [hbm4b:s5+s2], $0x2710, $0x38;
	[tilespmem:$0x9E80] =	vst v63  }
0x37: {  	s13 =	simm.s32 $0x40;
	s14 =	simm.s32 $0x0  }
0x38: {  	[tilespmem:s8], [sflag:$0x1] =	stream.linear.gather [hbm4b:s3+s2], $0x4F00, $0x38;
	[tilespmem:$0x9E80] =	vst v63  }
.LBB2_2:
0x39: {  	p0 =	sne.s32 s13, $0x9FC0;
	[tilespmem:s14+$0x7680] =	vst v11;
	s14 =	smov.u32 s13;
	s13 =	sadd.s32 $0x40, s13  }
.Ltmp0:
0x3a: {  	(pc) =	sbr.rel @p0 .LBB2_2-.Ltmp0, $2  }
0x3b: {  	_ =	sdelay $0x2  }
0x3c: {  	s14 =	sshra.s32 s14, $0x2  }
0x3d: {  	[tilespmem:s14+$0x7680] =	vst v11  }
0x3e: {  	_ =	swait.ge [sflag:s9], $0x2710  }
0x3f: {  	[sflag:s9] =	ssyncset.done $0x0  }
0x40: {  	[sflag:s9] =	ssyncadd.s32 $0xFFFFD8F0  }
0x41: {  	_ =	swait.ge [sflag:s9], $0x4F00  }
0x42: {  	[sflag:s9] =	ssyncset.done $0x0  }
0x43: {  	s13 =	simm.s32 $0x0;
	s14 =	simm.s32 $0x80;
	[sflag:s9] =	ssyncadd.s32 $0xFFFFB100  }
.LBB2_4:
0x44: {  	v16 =	vld [tilespmem:s14+$0xFFFFFF80]  }
0x45: {  	v19 =	vld [tilespmem:s14+$0xFFFFFF90]  }
0x46: {  	v22 =	vld [tilespmem:s14+$0xFFFFFFA0]  }
0x47: {  	v25 =	vld [tilespmem:s14+$0xFFFFFFB0]  }
0x48: {  	v28 =	vld [tilespmem:s14+$0xFFFFFFC0]  }
0x49: {  	v31 =	vld [tilespmem:s14+$0xFFFFFFD0]  }
0x4a: {  	v34 =	vld [tilespmem:s14+$0xFFFFFFE0]  }
0x4b: {  	v37 =	vld [tilespmem:s14+$0xFFFFFFF0]  }
0x4c: {  	v40 =	vld [tilespmem:s14+$0x0]  }
0x4d: {  	v43 =	vld [tilespmem:s14+$0x10]  }
0x4e: {  	v46 =	vld [tilespmem:s14+$0x20]  }
0x4f: {  	v49 =	vld [tilespmem:s14+$0x30]  }
0x50: {  	v52 =	vld [tilespmem:s14+$0x40]  }
0x51: {  	v55 =	vld [tilespmem:s14+$0x50]  }
0x52: {  	v58 =	vld [tilespmem:s14+$0x60]  }
0x53: {  	s15 =	sshra.s32 s13, $0x2;
	v61 =	vld [tilespmem:s14+$0x70]  }
0x54: {  	v17 =	vld.idx.msk [tilespmem:v0+s15+$0xFFFFFE80 ss:$0x1], $0xffff  }
0x55: {  	v18 =	vld.idx.msk [tilespmem:v0+s15+$0xFFFFFF00 ss:$0x1], $0xffff  }
0x56: {  	v20 =	vld.idx.msk [tilespmem:v1+s15+$0xFFFFFF80 ss:$0x1], $0xffff  }
0x57: {  	v21 =	vld.idx.msk [tilespmem:v1+s15+$0x0 ss:$0x1], $0xffff  }
0x58: {  	v23 =	vld.idx.msk [tilespmem:v2+s15+$0xFFFFFF80 ss:$0x1], $0xffff  }
0x59: {  	v24 =	vld.idx.msk [tilespmem:v2+s15+$0x0 ss:$0x1], $0xffff  }
0x5a: {  	v26 =	vld.idx.msk [tilespmem:v3+s15+$0xFFFFFF80 ss:$0x1], $0xffff  }
0x5b: {  	v27 =	vld.idx.msk [tilespmem:v3+s15+$0x0 ss:$0x1], $0xffff  }
0x5c: {  	v29 =	vld.idx.msk [tilespmem:v4+s15+$0xFFFFFF80 ss:$0x1], $0xffff  }
0x5d: {  	v30 =	vld.idx.msk [tilespmem:v4+s15+$0x0 ss:$0x1], $0xffff  }
0x5e: {  	v32 =	vld.idx.msk [tilespmem:v5+s15+$0x0 ss:$0x1], $0xffff  }
0x5f: {  	v33 =	vld.idx.msk [tilespmem:v5+s15+$0x80 ss:$0x1], $0xffff  }
0x60: {  	v35 =	vld.idx.msk [tilespmem:v6+s15+$0x0 ss:$0x1], $0xffff  }
0x61: {  	v36 =	vld.idx.msk [tilespmem:v6+s15+$0x80 ss:$0x1], $0xffff  }
0x62: {  	v38 =	vld.idx.msk [tilespmem:v7+s15+$0x0 ss:$0x1], $0xffff  }
0x63: {  	v39 =	vld.idx.msk [tilespmem:v7+s15+$0x80 ss:$0x1], $0xffff  }
0x64: {  	v41 =	vld.idx.msk [tilespmem:v0+s15+$0xFFFFFF80 ss:$0x1], $0xffff  }
0x65: {  	v42 =	vld.idx.msk [tilespmem:v0+s15+$0x0 ss:$0x1], $0xffff  }
0x66: {  	v44 =	vld.idx.msk [tilespmem:v8+s15+$0xFFFFFF80 ss:$0x1], $0xffff  }
0x67: {  	v45 =	vld.idx.msk [tilespmem:v8+s15+$0x0 ss:$0x1], $0xffff  }
0x68: {  	v47 =	vld.idx.msk [tilespmem:v9+s15+$0xFFFFFF80 ss:$0x1], $0xffff  }
0x69: {  	v48 =	vld.idx.msk [tilespmem:v9+s15+$0x0 ss:$0x1], $0xffff  }
0x6a: {  	v50 =	vld.idx.msk [tilespmem:v10+s15+$0xFFFFFF80 ss:$0x1], $0xffff  }
0x6b: {  	v51 =	vld.idx.msk [tilespmem:v10+s15+$0x0 ss:$0x1], $0xffff  }
0x6c: {  	v53 =	vld.idx.msk [tilespmem:v12+s15+$0xFFFFFF80 ss:$0x1], $0xffff  }
0x6d: {  	v54 =	vld.idx.msk [tilespmem:v12+s15+$0x0 ss:$0x1], $0xffff  }
0x6e: {  	v56 =	vld.idx.msk [tilespmem:v13+s15+$0xFFFFFF80 ss:$0x1], $0xffff  }
0x6f: {  	v57 =	vld.idx.msk [tilespmem:v13+s15+$0x0 ss:$0x1], $0xffff  }
0x70: {  	v59 =	vld.idx.msk [tilespmem:v14+s15+$0xFFFFFF80 ss:$0x1], $0xffff  }
0x71: {  	v60 =	vld.idx.msk [tilespmem:v14+s15+$0x0 ss:$0x1], $0xffff  }
0x72: {  	v62 =	vld.idx.msk [tilespmem:v15+s15+$0xFFFFFF80 ss:$0x1], $0xffff  }
0x73: {  	v63 =	vld.idx.msk [tilespmem:v15+s15+$0x0 ss:$0x1], $0xffff  }
0x74: {  	[tilespmem:v17+s10+$0x0] =	vst.idx.add.f32.msk $0xffff, v16  }
0x75: {  	[tilespmem:v18+s10+$0x0] =	vst.idx.add.f32.msk $0xffff, v16  }
0x76: {  	[tilespmem:v20+s10+$0x0] =	vst.idx.add.f32.msk $0xffff, v19  }
0x77: {  	[tilespmem:v21+s10+$0x0] =	vst.idx.add.f32.msk $0xffff, v19  }
0x78: {  	[tilespmem:v23+s10+$0x0] =	vst.idx.add.f32.msk $0xffff, v22  }
0x79: {  	[tilespmem:v24+s10+$0x0] =	vst.idx.add.f32.msk $0xffff, v22  }
0x7a: {  	[tilespmem:v26+s10+$0x0] =	vst.idx.add.f32.msk $0xffff, v25  }
0x7b: {  	[tilespmem:v27+s10+$0x0] =	vst.idx.add.f32.msk $0xffff, v25  }
0x7c: {  	[tilespmem:v29+s10+$0x0] =	vst.idx.add.f32.msk $0xffff, v28  }
0x7d: {  	[tilespmem:v30+s10+$0x0] =	vst.idx.add.f32.msk $0xffff, v28  }
0x7e: {  	[tilespmem:v32+s10+$0x0] =	vst.idx.add.f32.msk $0xffff, v31  }
0x7f: {  	[tilespmem:v33+s10+$0x0] =	vst.idx.add.f32.msk $0xffff, v31  }
0x80: {  	[tilespmem:v35+s10+$0x0] =	vst.idx.add.f32.msk $0xffff, v34  }
0x81: {  	[tilespmem:v36+s10+$0x0] =	vst.idx.add.f32.msk $0xffff, v34  }
0x82: {  	[tilespmem:v38+s10+$0x0] =	vst.idx.add.f32.msk $0xffff, v37  }
0x83: {  	[tilespmem:v39+s10+$0x0] =	vst.idx.add.f32.msk $0xffff, v37  }
0x84: {  	[tilespmem:v41+s10+$0x0] =	vst.idx.add.f32.msk $0xffff, v40  }
0x85: {  	[tilespmem:v42+s10+$0x0] =	vst.idx.add.f32.msk $0xffff, v40  }
0x86: {  	[tilespmem:v44+s10+$0x0] =	vst.idx.add.f32.msk $0xffff, v43  }
0x87: {  	[tilespmem:v45+s10+$0x0] =	vst.idx.add.f32.msk $0xffff, v43  }
0x88: {  	[tilespmem:v47+s10+$0x0] =	vst.idx.add.f32.msk $0xffff, v46  }
0x89: {  	[tilespmem:v48+s10+$0x0] =	vst.idx.add.f32.msk $0xffff, v46  }
0x8a: {  	[tilespmem:v50+s10+$0x0] =	vst.idx.add.f32.msk $0xffff, v49  }
0x8b: {  	[tilespmem:v51+s10+$0x0] =	vst.idx.add.f32.msk $0xffff, v49  }
0x8c: {  	[tilespmem:v53+s10+$0x0] =	vst.idx.add.f32.msk $0xffff, v52  }
0x8d: {  	[tilespmem:v54+s10+$0x0] =	vst.idx.add.f32.msk $0xffff, v52  }
0x8e: {  	p0 =	sne.s32 s13, $0x13000;
	[tilespmem:v56+s10+$0x0] =	vst.idx.add.f32.msk $0xffff, v55  }
.Ltmp1:
0x8f: {  	[tilespmem:v57+s10+$0x0] =	vst.idx.add.f32.msk $0xffff, v55;
	(pc) =	sbr.rel @p0 .LBB2_4-.Ltmp1, $4  }
0x90: {  	[tilespmem:v59+s10+$0x0] =	vst.idx.add.f32.msk $0xffff, v58  }
0x91: {  	[tilespmem:v60+s10+$0x0] =	vst.idx.add.f32.msk $0xffff, v58  }
0x92: {  	[tilespmem:v62+s10+$0x0] =	vst.idx.add.f32.msk $0xffff, v61  }
0x93: {  	s14 =	sadd.s32 $0x100, s14;
	s13 =	sadd.s32 $0x800, s13;
	[tilespmem:v63+s10+$0x0] =	vst.idx.add.f32.msk $0xffff, v61  }
0x94: {  	v16 =	vld [tilespmem:s4+$0x7580]  }
0x95: {  	v17 =	vld [tilespmem:s4+$0x7600];
	_ =	sdelay $0x1  }
0x96: {  	v18 =	vld [tilespmem:$0x2700];
	_ =	sdelay $0x3  }
0x97: {  	s12 =	sadd.s32 $0x1, s12  }
0x98: {  	p0 =	sne.s32 s12, s7;
	[tilespmem:v16+s10+$0x0] =	vst.idx.add.f32.msk $0xffff, v18  }
.Ltmp2:
0x99: {  	[tilespmem:v17+s10+$0x0] =	vst.idx.add.f32.msk $0xffff, v18;
	(pc) =	sbr.rel @p0 .LBB2_1-.Ltmp2, $4  }
0x9a: {  	[hbm4b:s6+s2] =	stream.linear.scatter [tilespmem:s10], [sflag:$0x2], $0x2800, $0x38;
	[tilespmem:$0x9E80] =	vst v63  }
0x9b: {  	_ =	swait.ge [sflag:s11], $0x2800  }
0x9c: {  	[sflag:s11] =	ssyncset.done $0x0  }
0x9d: {  	[sflag:s11] =	ssyncadd.s32 $0xFFFFD800  }
0x9e: {  	_ =	sfence.sel $0x180000  }
0x9f: {  	[bflag:$0x0] =	sbarrier.arrive $0xFFFF  }
0xa0: {  	p0 =	sne.s32 s0, $0x0;
	_ =	strace $0x90000047  }
0xa1: {  	s0 =	sadd.s32 @!p0 $0x100000, s1;
	[bflag:$0x2] =	sbarrier.arrive $0xFFFF  }
0xa2: {  	[sflag:s0] =	ssyncadd.tile.s32 @!p0 $0x1;
	_ =	shalt  }
.Lfunc_end2:
_tile_overlayer_lowered:
.L_overlay_start_2:
0xa3: {  	(tag) =	ssettag $0x2  }
0xa4: {  	s0 =	rddreg [dreg:$0x0];
	s2 =	stileid.u32  }
0xa5: {  	s1 =	rddreg [dreg:$0x1];
	p0 =	sne.s32 s2, $0x0  }
0xa6: {  	s3 =	rddreg [dreg:$0x2];
	[bflag:$0x3] =	sbarrier.arrive $0xFFFF;
	s2 =	simm.s32 @!p0 $0x1C02  }
0xa7: {  	[timem:s3], [sflag:s2] =	dma.local @!p0 [hbm:s0], s1  }
0xa8: {  	s0 =	simm.s32 @!p0 $0x2  }
0xa9: {  	_ =	swait.ge @!p0 [sflag:s0], s1  }
0xaa: {  	s1 =	ssub.s32 @!p0 $0x0, s1;
	[sflag:s0] =	ssyncset.done @!p0 $0x0  }
0xab: {  	[sflag:s0] =	ssyncadd.s32 @!p0 s1  }
0xac: {  	[bflag:$0x3] =	sbarrier.arrive $0xFFFF  }
0xad: {  	_ =	shalt  }

</sc_bundles>
